<compile_context>
chip_gen: v7x
topology: tpu7x:2x2x1
jax: 0.10.2.dev20260603
libtpu: 0.0.44.dev20260713+nightly
codegen_flags: <defaults>
</compile_context>

<pallas_src>
import functools

import jax
import jax.numpy as jnp
from jax import lax
from jax.experimental import pallas as pl
from jax.experimental.pallas import tpu as pltpu
from jax.experimental.pallas import tpu_sc as plsc

N_KP = 16
INPUT_MIN = -1.0
INPUT_MAX = 1.0
STEP = (INPUT_MAX - INPUT_MIN) / (N_KP - 1)
INV_STEP = (N_KP - 1) / (INPUT_MAX - INPUT_MIN)
LANES = 16

N_WORKERS = 32
CHUNK = 16384
_MAGIC = 12582912.0 + INV_STEP - 0.5


def _sc_body(per_worker, n_chunks,
             x_hbm, raw_hbm, y_hbm, raw_v, dv, c0_v, c1_v,
             xb0, xb1, yb0, yb1, si0, si1, so0, so1):
    nc = lax.axis_size("c")
    wid = lax.axis_index("s") * nc + lax.axis_index("c")
    base = wid * per_worker

    xbufs, ybufs = (xb0, xb1), (yb0, yb1)
    sin, sout = (si0, si1), (so0, so1)

    def start_in(cc, b):
        pltpu.async_copy(
            x_hbm.at[pl.ds(base + cc * CHUNK, CHUNK)], xbufs[b], sin[b])

    start_in(0, 0)
    start_in(1, 1)

    pltpu.sync_copy(raw_hbm, raw_v)
    r = raw_v[...]
    e = jnp.exp(-jnp.abs(r))
    z = e * (1.0 - e * (0.5 - e * (1.0 / 3.0)))
    w = 1.0 + e
    for _ in range(3):
        z = z - 1.0 + w * jnp.exp(-z)
    d = jnp.maximum(r, 0.0) + z
    cs = jnp.cumsum(d)
    denom = jnp.max(cs) + 1e-6
    io = lax.iota(jnp.int32, 16)
    dv[...] = d
    dn = plsc.load_gather(dv, [(io + 1) & 15])
    dn = jnp.where(io < N_KP - 1, dn, 0.0)
    y = cs / denom
    ynext = (cs + dn) / denom
    kx = INPUT_MIN + io.astype(jnp.float32) * STEP
    c1 = (ynext - y) / (STEP + 1e-8)
    c0_v[...] = y - c1 * kx
    c1_v[...] = c1

    def compute(xb, yb):
        @plsc.parallel_loop(0, CHUNK, step=LANES, unroll=4)
        def _vec(i):
            xv = xb[pl.ds(i, LANES)]
            v = jnp.minimum(jnp.maximum(xv, INPUT_MIN), INPUT_MAX)
            w = v * INV_STEP + _MAGIC
            j = plsc.bitcast(w, jnp.int32) & 0xFFFF
            a = plsc.load_gather(c0_v, [j])
            b = plsc.load_gather(c1_v, [j])
            yb[pl.ds(i, LANES)] = a + b * v

    def wait_in(b):
        pltpu.make_async_copy(
            x_hbm.at[pl.ds(0, CHUNK)], xbufs[b], sin[b]).wait()

    def wait_out(b):
        pltpu.make_async_copy(
            ybufs[b], y_hbm.at[pl.ds(0, CHUNK)], sout[b]).wait()

    @pl.loop(0, n_chunks, step=2)
    def _pair(c):
        for b in (0, 1):
            cc = c + b
            wait_in(b)

            @pl.when(c >= 2)
            def _():
                wait_out(b)

            compute(xbufs[b], ybufs[b])
            pltpu.async_copy(
                ybufs[b], y_hbm.at[pl.ds(base + cc * CHUNK, CHUNK)], sout[b])

            @pl.when(c + 2 < n_chunks)
            def _():
                start_in(cc + 2, b)

    wait_out(0)
    wait_out(1)


def kernel(x, keypoint_y_raw):
    n = x.size
    per_worker = n // N_WORKERS
    n_chunks = per_worker // CHUNK

    mesh = plsc.VectorSubcoreMesh(core_axis_name="c", subcore_axis_name="s")
    sc = pl.kernel(
        functools.partial(_sc_body, per_worker, n_chunks),
        out_type=jax.ShapeDtypeStruct((n,), jnp.float32),
        mesh=mesh,
        scratch_types=[
            pltpu.VMEM((N_KP,), jnp.float32),
            pltpu.VMEM((N_KP,), jnp.float32),
            pltpu.VMEM((N_KP,), jnp.float32),
            pltpu.VMEM((N_KP,), jnp.float32),
            pltpu.VMEM((CHUNK,), jnp.float32),
            pltpu.VMEM((CHUNK,), jnp.float32),
            pltpu.VMEM((CHUNK,), jnp.float32),
            pltpu.VMEM((CHUNK,), jnp.float32),
            pltpu.SemaphoreType.DMA,
            pltpu.SemaphoreType.DMA,
            pltpu.SemaphoreType.DMA,
            pltpu.SemaphoreType.DMA,
        ],
        compiler_params=pltpu.CompilerParams(needs_layout_passes=False),
    )
    return sc(x, keypoint_y_raw)

# --- scband reference (transcript-rebuilt; emitter-appended) ---
"""Pipeline reference for scband-monotonic-calibrator-66838281060607 (READ-ONLY COPY).

The authoritative reference and input builder live on the scoring server;
editing this copy changes nothing except your own understanding.
"""

import jax, jax.numpy as jnp
import numpy as np

N_KEYPOINTS = 16
INPUT_MIN = -1.0
INPUT_MAX = 1.0

def setup_inputs(seed: int = 0) -> dict:
    key = jax.random.key(seed)
    k1, k2 = jax.random.split(key)
    x = jax.random.normal(k1, (16777216,), dtype=jnp.float32)
    keypoint_y_raw = jax.random.uniform(k2, (N_KEYPOINTS,), dtype=jnp.float32)
    return {"x": x, "keypoint_y_raw": keypoint_y_raw}

def reference(x, keypoint_y_raw):
    kp_x = jnp.linspace(INPUT_MIN, INPUT_MAX, N_KEYPOINTS, dtype=jnp.float32)
    # monotone increasing keypoint_y
    deltas = jax.nn.softplus(keypoint_y_raw)
    kp_y = jnp.cumsum(deltas)
    kp_y = kp_y / (kp_y[-1] + 1e-06)
    x_clamped = jnp.clip(x, INPUT_MIN, INPUT_MAX)
    flat_x = x_clamped.reshape(-1)
    indices_right = jnp.clip(jnp.searchsorted(kp_x, flat_x, side='left'), 1, N_KEYPOINTS - 1)
    indices_left = indices_right - 1
    x_left = jnp.take(kp_x, indices_left)
    x_right = jnp.take(kp_x, indices_right)
    y_left = jnp.take(kp_y, indices_left)
    y_right = jnp.take(kp_y, indices_right)
    t = (flat_x - x_left) / (x_right - x_left + 1e-08)
    y = y_left + t * (y_right - y_left)
    return y.reshape(x_clamped.shape)

if __name__ == "__main__":
    import jax
    _d = setup_inputs()
    print(jax.jit(kernel)(*tuple(_d.values())))

</pallas_src>

<mosaic_0001>
#map = affine_map<(d0, d1) -> (0)>
module attributes {stable_mosaic.version = 14 : i64} {
  func.func @_sc_body(%arg0: i32, %arg1: i32, %arg2: memref<16777216xf32, #tpu.memory_space<hbm>>, %arg3: memref<16xf32, #tpu.memory_space<hbm>>, %arg4: memref<16777216xf32, #tpu.memory_space<hbm>>, %arg5: memref<16xf32, #tpu.memory_space<vmem>>, %arg6: memref<16xf32, #tpu.memory_space<vmem>>, %arg7: memref<16xf32, #tpu.memory_space<vmem>>, %arg8: memref<16xf32, #tpu.memory_space<vmem>>, %arg9: memref<16384xf32, #tpu.memory_space<vmem>>, %arg10: memref<16384xf32, #tpu.memory_space<vmem>>, %arg11: memref<16384xf32, #tpu.memory_space<vmem>>, %arg12: memref<16384xf32, #tpu.memory_space<vmem>>, %arg13: memref<!tpu.dma_semaphore, #tpu.memory_space<semaphore_mem>>, %arg14: memref<!tpu.dma_semaphore, #tpu.memory_space<semaphore_mem>>, %arg15: memref<!tpu.dma_semaphore, #tpu.memory_space<semaphore_mem>>, %arg16: memref<!tpu.dma_semaphore, #tpu.memory_space<semaphore_mem>>) attributes {dimension_semantics = [#tpu.dimension_semantics<core_parallel>, #tpu.dimension_semantics<subcore_parallel>], iteration_bounds = array<i64: 2, 16>, scalar_prefetch = 0 : i64, scratch_operands = 12 : i64, tpu.core_type = #tpu.core_type<sc_vector_subcore>, window_params = [{transform_indices = #map}, {transform_indices = #map}, {transform_indices = #map}]} {
    %mul3A = arith.constant 2 : i32
    %mul3A_0 = arith.muli %arg1, %mul3A : i32
    %add3A = arith.addi %mul3A_0, %arg0 : i32
    %mul3A_1 = arith.constant 524288 : i32
    %mul3A_2 = arith.muli %add3A, %mul3A_1 : i32
    %add3A_3 = arith.constant 0 : i32
    %add3A_4 = arith.addi %mul3A_2, %add3A_3 : i32
    %dma_start3A = tpu.memref_slice %arg2[%add3A_4] : memref<16777216xf32, #tpu.memory_space<hbm>> -> memref<16384xf32, #tpu.memory_space<hbm>>
    %dma_start3A_5 = tpu.memref_slice %arg2[%add3A_4] : memref<16777216xf32, #tpu.memory_space<hbm>> -> memref<16384xf32, #tpu.memory_space<hbm>>
    tpu.enqueue_dma source(%dma_start3A_5 : memref<16384xf32, #tpu.memory_space<hbm>>) target(%arg9 : memref<16384xf32, #tpu.memory_space<vmem>>) target_semaphore(%arg13 : memref<!tpu.dma_semaphore, #tpu.memory_space<semaphore_mem>>)
    %add3A_6 = arith.constant 16384 : i32
    %add3A_7 = arith.addi %mul3A_2, %add3A_6 : i32
    %dma_start3A_8 = tpu.memref_slice %arg2[%add3A_7] : memref<16777216xf32, #tpu.memory_space<hbm>> -> memref<16384xf32, #tpu.memory_space<hbm>>
    %dma_start3A_9 = tpu.memref_slice %arg2[%add3A_7] : memref<16777216xf32, #tpu.memory_space<hbm>> -> memref<16384xf32, #tpu.memory_space<hbm>>
    tpu.enqueue_dma source(%dma_start3A_9 : memref<16384xf32, #tpu.memory_space<hbm>>) target(%arg10 : memref<16384xf32, #tpu.memory_space<vmem>>) target_semaphore(%arg14 : memref<!tpu.dma_semaphore, #tpu.memory_space<semaphore_mem>>)
    "tpu.region"() ({
      %run_scoped3A = tpu.sem_alloc : memref<!tpu.dma_semaphore, #tpu.memory_space<semaphore_mem>>
      tpu.enqueue_dma source(%arg3 : memref<16xf32, #tpu.memory_space<hbm>>) target(%arg5 : memref<16xf32, #tpu.memory_space<vmem>>) target_semaphore(%run_scoped3A : memref<!tpu.dma_semaphore, #tpu.memory_space<semaphore_mem>>)
      tpu.wait_dma2 semaphore(%run_scoped3A : memref<!tpu.dma_semaphore, #tpu.memory_space<semaphore_mem>>) src(%arg3 : memref<16xf32, #tpu.memory_space<hbm>>) dst(%arg5 : memref<16xf32, #tpu.memory_space<vmem>>)
      tpu.yield
    }) : () -> ()
    %get3A = arith.constant 0 : index
    %get3A_10 = tpu.vector_load %arg5[%get3A] {strides = array<i32>} : memref<16xf32, #tpu.memory_space<vmem>>, vector<16xf32>,
    %abs3A = math.absf %get3A_10 : vector<16xf32>
    %neg3A = arith.constant 0.000000e+00 : f32
    %neg3A_11 = vector.broadcast %neg3A : f32 to vector<16xf32>
    %neg3A_12 = arith.subf %neg3A_11, %abs3A : vector<16xf32>
    %exp3A = math.exp %neg3A_12 : vector<16xf32>
    %mul3A_13 = arith.constant 0.333333343 : f32
    %mul3A_14 = vector.broadcast %mul3A_13 : f32 to vector<16xf32>
    %mul3A_15 = arith.mulf %exp3A, %mul3A_14 : vector<16xf32>
    %sub3A = arith.constant 5.000000e-01 : f32
    %sub3A_16 = vector.broadcast %sub3A : f32 to vector<16xf32>
    %sub3A_17 = arith.subf %sub3A_16, %mul3A_15 : vector<16xf32>
    %mul3A_18 = arith.mulf %exp3A, %sub3A_17 : vector<16xf32>
    %sub3A_19 = arith.constant 1.000000e+00 : f32
    %sub3A_20 = vector.broadcast %sub3A_19 : f32 to vector<16xf32>
    %sub3A_21 = arith.subf %sub3A_20, %mul3A_18 : vector<16xf32>
    %mul3A_22 = arith.mulf %exp3A, %sub3A_21 : vector<16xf32>
    %add3A_23 = arith.constant 1.000000e+00 : f32
    %add3A_24 = vector.broadcast %add3A_23 : f32 to vector<16xf32>
    %add3A_25 = arith.addf %add3A_24, %exp3A : vector<16xf32>
    %sub3A_26 = arith.constant 1.000000e+00 : f32
    %sub3A_27 = vector.broadcast %sub3A_26 : f32 to vector<16xf32>
    %sub3A_28 = arith.subf %mul3A_22, %sub3A_27 : vector<16xf32>
    %neg3A_29 = arith.constant 0.000000e+00 : f32
    %neg3A_30 = vector.broadcast %neg3A_29 : f32 to vector<16xf32>
    %neg3A_31 = arith.subf %neg3A_30, %mul3A_22 : vector<16xf32>
    %exp3A_32 = math.exp %neg3A_31 : vector<16xf32>
    %mul3A_33 = arith.mulf %add3A_25, %exp3A_32 : vector<16xf32>
    %add3A_34 = arith.addf %sub3A_28, %mul3A_33 : vector<16xf32>
    %sub3A_35 = arith.constant 1.000000e+00 : f32
    %sub3A_36 = vector.broadcast %sub3A_35 : f32 to vector<16xf32>
    %sub3A_37 = arith.subf %add3A_34, %sub3A_36 : vector<16xf32>
    %neg3A_38 = arith.constant 0.000000e+00 : f32
    %neg3A_39 = vector.broadcast %neg3A_38 : f32 to vector<16xf32>
    %neg3A_40 = arith.subf %neg3A_39, %add3A_34 : vector<16xf32>
    %exp3A_41 = math.exp %neg3A_40 : vector<16xf32>
    %mul3A_42 = arith.mulf %add3A_25, %exp3A_41 : vector<16xf32>
    %add3A_43 = arith.addf %sub3A_37, %mul3A_42 : vector<16xf32>
    %sub3A_44 = arith.constant 1.000000e+00 : f32
    %sub3A_45 = vector.broadcast %sub3A_44 : f32 to vector<16xf32>
    %sub3A_46 = arith.subf %add3A_43, %sub3A_45 : vector<16xf32>
    %neg3A_47 = arith.constant 0.000000e+00 : f32
    %neg3A_48 = vector.broadcast %neg3A_47 : f32 to vector<16xf32>
    %neg3A_49 = arith.subf %neg3A_48, %add3A_43 : vector<16xf32>
    %exp3A_50 = math.exp %neg3A_49 : vector<16xf32>
    %mul3A_51 = arith.mulf %add3A_25, %exp3A_50 : vector<16xf32>
    %add3A_52 = arith.addf %sub3A_46, %mul3A_51 : vector<16xf32>
    %max3A = arith.constant 0.000000e+00 : f32
    %max3A_53 = vector.broadcast %max3A : f32 to vector<16xf32>
    %max3A_54 = arith.maximumf %get3A_10, %max3A_53 : vector<16xf32>
    %add3A_55 = arith.addf %max3A_54, %add3A_52 : vector<16xf32>
    %cumsum3A = arith.constant true
    %cumsum3A_56 = vector.broadcast %cumsum3A : i1 to vector<16xi1>
    %cumsum3A_57 = tpu.scan <sum>, %add3A_55 masked %cumsum3A_56 : vector<16xf32>, vector<16xi1> -> vector<16xf32>
    %reduce_max3A = arith.constant true
    %reduce_max3A_58 = vector.broadcast %reduce_max3A : i1 to vector<16xi1>
    %reduce_max3A_59 = tpu.scan <max>, %cumsum3A_57 masked %reduce_max3A_58 : vector<16xf32>, vector<16xi1> -> vector<16xf32>
    %reduce_max3A_60 = vector.extract %reduce_max3A_59[15] : f32 from vector<16xf32>
    %add3A_61 = arith.constant 9.99999997E-7 : f32
    %add3A_62 = arith.addf %reduce_max3A_60, %add3A_61 : f32
    %iota3A = tpu.iota {dimensions = array<i32: 0>} : vector<16xi32>
    %swap3A = arith.constant 0 : index
    %swap3A_63 = tpu.vector_load %arg6[%swap3A] {strides = array<i32>} : memref<16xf32, #tpu.memory_space<vmem>>, vector<16xf32>,
    tpu.vector_store %arg6[%swap3A], %add3A_55 {strides = array<i32>} : memref<16xf32, #tpu.memory_space<vmem>>, vector<16xf32>,
    %add3A_64 = arith.constant 1 : i32
    %add3A_65 = vector.broadcast %add3A_64 : i32 to vector<16xi32>
    %add3A_66 = arith.addi %iota3A, %add3A_65 : vector<16xi32>
    %and3A = arith.constant 15 : i32
    %and3A_67 = vector.broadcast %and3A : i32 to vector<16xi32>
    %and3A_68 = arith.andi %add3A_66, %and3A_67 : vector<16xi32>
    %gather3A = tpu.vector_load_idx %arg6[%and3A_68] : memref<16xf32, #tpu.memory_space<vmem>>[vector<16xi32>], vector<16xf32>,
    %lt3A = arith.constant 15 : i32
    %lt3A_69 = vector.broadcast %lt3A : i32 to vector<16xi32>
    %lt3A_70 = arith.cmpi slt, %iota3A, %lt3A_69 : vector<16xi32>
    %jit3A = arith.constant 0.000000e+00 : f32
    %broadcast_in_dim3A = vector.broadcast %jit3A : f32 to vector<16xf32>
    %select_n3A = arith.select %lt3A_70, %gather3A, %broadcast_in_dim3A : vector<16xi1>, vector<16xf32>
    %div3A = vector.broadcast %add3A_62 : f32 to vector<16xf32>
    %div3A_71 = arith.divf %cumsum3A_57, %div3A : vector<16xf32>
    %add3A_72 = arith.addf %cumsum3A_57, %select_n3A : vector<16xf32>
    %div3A_73 = vector.broadcast %add3A_62 : f32 to vector<16xf32>
    %div3A_74 = arith.divf %add3A_72, %div3A_73 : vector<16xf32>
    %convert_element_type3A = arith.sitofp %iota3A : vector<16xi32> to vector<16xf32>
    %mul3A_75 = arith.constant 0.13333334 : f32
    %mul3A_76 = vector.broadcast %mul3A_75 : f32 to vector<16xf32>
    %mul3A_77 = arith.mulf %convert_element_type3A, %mul3A_76 : vector<16xf32>
    %add3A_78 = arith.constant -1.000000e+00 : f32
    %add3A_79 = vector.broadcast %add3A_78 : f32 to vector<16xf32>
    %add3A_80 = arith.addf %add3A_79, %mul3A_77 : vector<16xf32>
    %sub3A_81 = arith.subf %div3A_74, %div3A_71 : vector<16xf32>
    %div3A_82 = arith.constant 0.13333334 : f32
    %div3A_83 = vector.broadcast %div3A_82 : f32 to vector<16xf32>
    %div3A_84 = arith.divf %sub3A_81, %div3A_83 : vector<16xf32>
    %mul3A_85 = arith.mulf %div3A_84, %add3A_80 : vector<16xf32>
    %sub3A_86 = arith.subf %div3A_71, %mul3A_85 : vector<16xf32>
    %swap3A_87 = arith.constant 0 : index
    %swap3A_88 = tpu.vector_load %arg7[%swap3A_87] {strides = array<i32>} : memref<16xf32, #tpu.memory_space<vmem>>, vector<16xf32>,
    tpu.vector_store %arg7[%swap3A_87], %sub3A_86 {strides = array<i32>} : memref<16xf32, #tpu.memory_space<vmem>>, vector<16xf32>,
    %swap3A_89 = arith.constant 0 : index
    %swap3A_90 = tpu.vector_load %arg8[%swap3A_89] {strides = array<i32>} : memref<16xf32, #tpu.memory_space<vmem>>, vector<16xf32>,
    tpu.vector_store %arg8[%swap3A_89], %div3A_84 {strides = array<i32>} : memref<16xf32, #tpu.memory_space<vmem>>, vector<16xf32>,
    %scan3A = arith.constant 0 : i32
    %scan3A_91 = arith.constant 16 : i32
    %scan3A_92 = arith.addi %scan3A, %scan3A_91 : i32
    %scan3A_93 = arith.constant 1 : i32
    scf.for %scan3A_102 = %scan3A to %scan3A_92 step %scan3A_93  : i32 {
      %mul3A_103 = arith.constant 2 : i32
      %mul3A_104 = arith.muli %scan3A_102, %mul3A_103 : i32
      %add3A_105 = arith.constant 0 : i32
      %add3A_106 = arith.addi %add3A_105, %mul3A_104 : i32
      %add3A_107 = arith.constant 0 : i32
      %add3A_108 = arith.addi %add3A_106, %add3A_107 : i32
      %dma_wait3A_109 = arith.constant 0 : i32
      %dma_wait3A_110 = tpu.memref_slice %arg2[%dma_wait3A_109] : memref<16777216xf32, #tpu.memory_space<hbm>> -> memref<16384xf32, #tpu.memory_space<hbm>>
      %dma_wait3A_111 = arith.constant 0 : i32
      %dma_wait3A_112 = tpu.memref_slice %arg2[%dma_wait3A_111] : memref<16777216xf32, #tpu.memory_space<hbm>> -> memref<16384xf32, #tpu.memory_space<hbm>>
      tpu.wait_dma2 semaphore(%arg13 : memref<!tpu.dma_semaphore, #tpu.memory_space<semaphore_mem>>) src(%dma_wait3A_112 : memref<16384xf32, #tpu.memory_space<hbm>>) dst(%arg9 : memref<16384xf32, #tpu.memory_space<vmem>>)
      %ge3A = arith.constant 2 : i32
      %ge3A_113 = arith.cmpi sge, %add3A_106, %ge3A : i32
      %convert_element_type3A_114 = arith.extui %ge3A_113 : i1 to i32
      %cond3A = arith.constant 0 : i32
      %cond3A_115 = arith.cmpi ne, %convert_element_type3A_114, %cond3A : i32
      scf.if %cond3A_115 {
        %dma_wait3A_156 = arith.constant 0 : i32
        %dma_wait3A_157 = tpu.memref_slice %arg4[%dma_wait3A_156] : memref<16777216xf32, #tpu.memory_space<hbm>> -> memref<16384xf32, #tpu.memory_space<hbm>>
        %dma_wait3A_158 = arith.constant 0 : i32
        %dma_wait3A_159 = tpu.memref_slice %arg4[%dma_wait3A_158] : memref<16777216xf32, #tpu.memory_space<hbm>> -> memref<16384xf32, #tpu.memory_space<hbm>>
        tpu.wait_dma2 semaphore(%arg15 : memref<!tpu.dma_semaphore, #tpu.memory_space<semaphore_mem>>) src(%arg11 : memref<16384xf32, #tpu.memory_space<vmem>>) dst(%dma_wait3A_159 : memref<16384xf32, #tpu.memory_space<hbm>>)
      } else {
      }
      %parallel_loop3A = arith.constant 0 : i32
      %parallel_loop3A_116 = arith.constant 16384 : i32
      %parallel_loop3A_117 = arith.constant 16 : i32
      scf.for %parallel_loop3A_156 = %parallel_loop3A to %parallel_loop3A_116 step %parallel_loop3A_117  : i32 {
        %parallel_loop3A_157 = arith.index_cast %parallel_loop3A_156 : i32 to index
        %parallel_loop3A_158 = tpu.vector_load %arg9[%parallel_loop3A_157] {strides = array<i32>} : memref<16384xf32, #tpu.memory_space<vmem>>, vector<16xf32>,
        %parallel_loop3A_159 = arith.constant -1.000000e+00 : f32
        %parallel_loop3A_160 = vector.broadcast %parallel_loop3A_159 : f32 to vector<16xf32>
        %parallel_loop3A_161 = arith.maximumf %parallel_loop3A_158, %parallel_loop3A_160 : vector<16xf32>
        %parallel_loop3A_162 = arith.constant 1.000000e+00 : f32
        %parallel_loop3A_163 = vector.broadcast %parallel_loop3A_162 : f32 to vector<16xf32>
        %parallel_loop3A_164 = arith.minimumf %parallel_loop3A_161, %parallel_loop3A_163 : vector<16xf32>
        %parallel_loop3A_165 = arith.constant 7.500000e+00 : f32
        %parallel_loop3A_166 = vector.broadcast %parallel_loop3A_165 : f32 to vector<16xf32>
        %parallel_loop3A_167 = arith.mulf %parallel_loop3A_164, %parallel_loop3A_166 : vector<16xf32>
        %parallel_loop3A_168 = arith.constant 0x4B400007 : f32
        %parallel_loop3A_169 = vector.broadcast %parallel_loop3A_168 : f32 to vector<16xf32>
        %parallel_loop3A_170 = arith.addf %parallel_loop3A_167, %parallel_loop3A_169 : vector<16xf32>
        %parallel_loop3A_171 = vector.bitcast %parallel_loop3A_170 : vector<16xf32> to vector<16xi32>
        %parallel_loop3A_172 = arith.constant 65535 : i32
        %parallel_loop3A_173 = vector.broadcast %parallel_loop3A_172 : i32 to vector<16xi32>
        %parallel_loop3A_174 = arith.andi %parallel_loop3A_171, %parallel_loop3A_173 : vector<16xi32>
        %parallel_loop3A_175 = tpu.vector_load_idx %arg7[%parallel_loop3A_174] : memref<16xf32, #tpu.memory_space<vmem>>[vector<16xi32>], vector<16xf32>,
        %parallel_loop3A_176 = tpu.vector_load_idx %arg8[%parallel_loop3A_174] : memref<16xf32, #tpu.memory_space<vmem>>[vector<16xi32>], vector<16xf32>,
        %parallel_loop3A_177 = arith.mulf %parallel_loop3A_176, %parallel_loop3A_164 : vector<16xf32>
        %parallel_loop3A_178 = arith.addf %parallel_loop3A_175, %parallel_loop3A_177 : vector<16xf32>
        %parallel_loop3A_179 = arith.index_cast %parallel_loop3A_156 : i32 to index
        %parallel_loop3A_180 = tpu.vector_load %arg11[%parallel_loop3A_179] {strides = array<i32>} : memref<16384xf32, #tpu.memory_space<vmem>>, vector<16xf32>,
        tpu.vector_store %arg11[%parallel_loop3A_179], %parallel_loop3A_178 {strides = array<i32>} : memref<16384xf32, #tpu.memory_space<vmem>>, vector<16xf32>,
      } {sc.loop_unroll_factor = 4 : i64, sc.parallel_access}
      %mul3A_118 = arith.constant 16384 : i32
      %mul3A_119 = arith.muli %add3A_108, %mul3A_118 : i32
      %add3A_120 = arith.addi %mul3A_2, %mul3A_119 : i32
      %dma_start3A_121 = tpu.memref_slice %arg4[%add3A_120] : memref<16777216xf32, #tpu.memory_space<hbm>> -> memref<16384xf32, #tpu.memory_space<hbm>>
      %dma_start3A_122 = tpu.memref_slice %arg4[%add3A_120] : memref<16777216xf32, #tpu.memory_space<hbm>> -> memref<16384xf32, #tpu.memory_space<hbm>>
      tpu.enqueue_dma source(%arg11 : memref<16384xf32, #tpu.memory_space<vmem>>) target(%dma_start3A_122 : memref<16384xf32, #tpu.memory_space<hbm>>) target_semaphore(%arg15 : memref<!tpu.dma_semaphore, #tpu.memory_space<semaphore_mem>>)
      %add3A_123 = arith.constant 2 : i32
      %add3A_124 = arith.addi %add3A_106, %add3A_123 : i32
      %lt3A_125 = arith.constant 32 : i32
      %lt3A_126 = arith.cmpi slt, %add3A_124, %lt3A_125 : i32
      %convert_element_type3A_127 = arith.extui %lt3A_126 : i1 to i32
      %cond3A_128 = arith.constant 0 : i32
      %cond3A_129 = arith.cmpi ne, %convert_element_type3A_127, %cond3A_128 : i32
      scf.if %cond3A_129 {
        %add3A_156 = arith.constant 2 : i32
        %add3A_157 = arith.addi %add3A_108, %add3A_156 : i32
        %mul3A_158 = arith.constant 16384 : i32
        %mul3A_159 = arith.muli %add3A_157, %mul3A_158 : i32
        %add3A_160 = arith.addi %mul3A_2, %mul3A_159 : i32
        %dma_start3A_161 = tpu.memref_slice %arg2[%add3A_160] : memref<16777216xf32, #tpu.memory_space<hbm>> -> memref<16384xf32, #tpu.memory_space<hbm>>
        %dma_start3A_162 = tpu.memref_slice %arg2[%add3A_160] : memref<16777216xf32, #tpu.memory_space<hbm>> -> memref<16384xf32, #tpu.memory_space<hbm>>
        tpu.enqueue_dma source(%dma_start3A_162 : memref<16384xf32, #tpu.memory_space<hbm>>) target(%arg9 : memref<16384xf32, #tpu.memory_space<vmem>>) target_semaphore(%arg13 : memref<!tpu.dma_semaphore, #tpu.memory_space<semaphore_mem>>)
      } else {
      }
      %add3A_130 = arith.constant 1 : i32
      %add3A_131 = arith.addi %add3A_106, %add3A_130 : i32
      %dma_wait3A_132 = arith.constant 0 : i32
      %dma_wait3A_133 = tpu.memref_slice %arg2[%dma_wait3A_132] : memref<16777216xf32, #tpu.memory_space<hbm>> -> memref<16384xf32, #tpu.memory_space<hbm>>
      %dma_wait3A_134 = arith.constant 0 : i32
      %dma_wait3A_135 = tpu.memref_slice %arg2[%dma_wait3A_134] : memref<16777216xf32, #tpu.memory_space<hbm>> -> memref<16384xf32, #tpu.memory_space<hbm>>
      tpu.wait_dma2 semaphore(%arg14 : memref<!tpu.dma_semaphore, #tpu.memory_space<semaphore_mem>>) src(%dma_wait3A_135 : memref<16384xf32, #tpu.memory_space<hbm>>) dst(%arg10 : memref<16384xf32, #tpu.memory_space<vmem>>)
      %ge3A_136 = arith.constant 2 : i32
      %ge3A_137 = arith.cmpi sge, %add3A_106, %ge3A_136 : i32
      %convert_element_type3A_138 = arith.extui %ge3A_137 : i1 to i32
      %cond3A_139 = arith.constant 0 : i32
      %cond3A_140 = arith.cmpi ne, %convert_element_type3A_138, %cond3A_139 : i32
      scf.if %cond3A_140 {
        %dma_wait3A_156 = arith.constant 0 : i32
        %dma_wait3A_157 = tpu.memref_slice %arg4[%dma_wait3A_156] : memref<16777216xf32, #tpu.memory_space<hbm>> -> memref<16384xf32, #tpu.memory_space<hbm>>
        %dma_wait3A_158 = arith.constant 0 : i32
        %dma_wait3A_159 = tpu.memref_slice %arg4[%dma_wait3A_158] : memref<16777216xf32, #tpu.memory_space<hbm>> -> memref<16384xf32, #tpu.memory_space<hbm>>
        tpu.wait_dma2 semaphore(%arg16 : memref<!tpu.dma_semaphore, #tpu.memory_space<semaphore_mem>>) src(%arg12 : memref<16384xf32, #tpu.memory_space<vmem>>) dst(%dma_wait3A_159 : memref<16384xf32, #tpu.memory_space<hbm>>)
      } else {
      }
      %parallel_loop3A_141 = arith.constant 0 : i32
      %parallel_loop3A_142 = arith.constant 16384 : i32
      %parallel_loop3A_143 = arith.constant 16 : i32
      scf.for %parallel_loop3A_156 = %parallel_loop3A_141 to %parallel_loop3A_142 step %parallel_loop3A_143  : i32 {
        %parallel_loop3A_157 = arith.index_cast %parallel_loop3A_156 : i32 to index
        %parallel_loop3A_158 = tpu.vector_load %arg10[%parallel_loop3A_157] {strides = array<i32>} : memref<16384xf32, #tpu.memory_space<vmem>>, vector<16xf32>,
        %parallel_loop3A_159 = arith.constant -1.000000e+00 : f32
        %parallel_loop3A_160 = vector.broadcast %parallel_loop3A_159 : f32 to vector<16xf32>
        %parallel_loop3A_161 = arith.maximumf %parallel_loop3A_158, %parallel_loop3A_160 : vector<16xf32>
        %parallel_loop3A_162 = arith.constant 1.000000e+00 : f32
        %parallel_loop3A_163 = vector.broadcast %parallel_loop3A_162 : f32 to vector<16xf32>
        %parallel_loop3A_164 = arith.minimumf %parallel_loop3A_161, %parallel_loop3A_163 : vector<16xf32>
        %parallel_loop3A_165 = arith.constant 7.500000e+00 : f32
        %parallel_loop3A_166 = vector.broadcast %parallel_loop3A_165 : f32 to vector<16xf32>
        %parallel_loop3A_167 = arith.mulf %parallel_loop3A_164, %parallel_loop3A_166 : vector<16xf32>
        %parallel_loop3A_168 = arith.constant 0x4B400007 : f32
        %parallel_loop3A_169 = vector.broadcast %parallel_loop3A_168 : f32 to vector<16xf32>
        %parallel_loop3A_170 = arith.addf %parallel_loop3A_167, %parallel_loop3A_169 : vector<16xf32>
        %parallel_loop3A_171 = vector.bitcast %parallel_loop3A_170 : vector<16xf32> to vector<16xi32>
        %parallel_loop3A_172 = arith.constant 65535 : i32
        %parallel_loop3A_173 = vector.broadcast %parallel_loop3A_172 : i32 to vector<16xi32>
        %parallel_loop3A_174 = arith.andi %parallel_loop3A_171, %parallel_loop3A_173 : vector<16xi32>
        %parallel_loop3A_175 = tpu.vector_load_idx %arg7[%parallel_loop3A_174] : memref<16xf32, #tpu.memory_space<vmem>>[vector<16xi32>], vector<16xf32>,
        %parallel_loop3A_176 = tpu.vector_load_idx %arg8[%parallel_loop3A_174] : memref<16xf32, #tpu.memory_space<vmem>>[vector<16xi32>], vector<16xf32>,
        %parallel_loop3A_177 = arith.mulf %parallel_loop3A_176, %parallel_loop3A_164 : vector<16xf32>
        %parallel_loop3A_178 = arith.addf %parallel_loop3A_175, %parallel_loop3A_177 : vector<16xf32>
        %parallel_loop3A_179 = arith.index_cast %parallel_loop3A_156 : i32 to index
        %parallel_loop3A_180 = tpu.vector_load %arg12[%parallel_loop3A_179] {strides = array<i32>} : memref<16384xf32, #tpu.memory_space<vmem>>, vector<16xf32>,
        tpu.vector_store %arg12[%parallel_loop3A_179], %parallel_loop3A_178 {strides = array<i32>} : memref<16384xf32, #tpu.memory_space<vmem>>, vector<16xf32>,
      } {sc.loop_unroll_factor = 4 : i64, sc.parallel_access}
      %mul3A_144 = arith.constant 16384 : i32
      %mul3A_145 = arith.muli %add3A_131, %mul3A_144 : i32
      %add3A_146 = arith.addi %mul3A_2, %mul3A_145 : i32
      %dma_start3A_147 = tpu.memref_slice %arg4[%add3A_146] : memref<16777216xf32, #tpu.memory_space<hbm>> -> memref<16384xf32, #tpu.memory_space<hbm>>
      %dma_start3A_148 = tpu.memref_slice %arg4[%add3A_146] : memref<16777216xf32, #tpu.memory_space<hbm>> -> memref<16384xf32, #tpu.memory_space<hbm>>
      tpu.enqueue_dma source(%arg12 : memref<16384xf32, #tpu.memory_space<vmem>>) target(%dma_start3A_148 : memref<16384xf32, #tpu.memory_space<hbm>>) target_semaphore(%arg16 : memref<!tpu.dma_semaphore, #tpu.memory_space<semaphore_mem>>)
      %add3A_149 = arith.constant 2 : i32
      %add3A_150 = arith.addi %add3A_106, %add3A_149 : i32
      %lt3A_151 = arith.constant 32 : i32
      %lt3A_152 = arith.cmpi slt, %add3A_150, %lt3A_151 : i32
      %convert_element_type3A_153 = arith.extui %lt3A_152 : i1 to i32
      %cond3A_154 = arith.constant 0 : i32
      %cond3A_155 = arith.cmpi ne, %convert_element_type3A_153, %cond3A_154 : i32
      scf.if %cond3A_155 {
        %add3A_156 = arith.constant 2 : i32
        %add3A_157 = arith.addi %add3A_131, %add3A_156 : i32
        %mul3A_158 = arith.constant 16384 : i32
        %mul3A_159 = arith.muli %add3A_157, %mul3A_158 : i32
        %add3A_160 = arith.addi %mul3A_2, %mul3A_159 : i32
        %dma_start3A_161 = tpu.memref_slice %arg2[%add3A_160] : memref<16777216xf32, #tpu.memory_space<hbm>> -> memref<16384xf32, #tpu.memory_space<hbm>>
        %dma_start3A_162 = tpu.memref_slice %arg2[%add3A_160] : memref<16777216xf32, #tpu.memory_space<hbm>> -> memref<16384xf32, #tpu.memory_space<hbm>>
        tpu.enqueue_dma source(%dma_start3A_162 : memref<16384xf32, #tpu.memory_space<hbm>>) target(%arg10 : memref<16384xf32, #tpu.memory_space<vmem>>) target_semaphore(%arg14 : memref<!tpu.dma_semaphore, #tpu.memory_space<semaphore_mem>>)
      } else {
      }
    }
    %scan3A_94 = arith.constant 16 : i32
    %dma_wait3A = arith.constant 0 : i32
    %dma_wait3A_95 = tpu.memref_slice %arg4[%dma_wait3A] : memref<16777216xf32, #tpu.memory_space<hbm>> -> memref<16384xf32, #tpu.memory_space<hbm>>
    %dma_wait3A_96 = arith.constant 0 : i32
    %dma_wait3A_97 = tpu.memref_slice %arg4[%dma_wait3A_96] : memref<16777216xf32, #tpu.memory_space<hbm>> -> memref<16384xf32, #tpu.memory_space<hbm>>
    tpu.wait_dma2 semaphore(%arg15 : memref<!tpu.dma_semaphore, #tpu.memory_space<semaphore_mem>>) src(%arg11 : memref<16384xf32, #tpu.memory_space<vmem>>) dst(%dma_wait3A_97 : memref<16384xf32, #tpu.memory_space<hbm>>)
    %dma_wait3A_98 = arith.constant 0 : i32
    %dma_wait3A_99 = tpu.memref_slice %arg4[%dma_wait3A_98] : memref<16777216xf32, #tpu.memory_space<hbm>> -> memref<16384xf32, #tpu.memory_space<hbm>>
    %dma_wait3A_100 = arith.constant 0 : i32
    %dma_wait3A_101 = tpu.memref_slice %arg4[%dma_wait3A_100] : memref<16777216xf32, #tpu.memory_space<hbm>> -> memref<16384xf32, #tpu.memory_space<hbm>>
    tpu.wait_dma2 semaphore(%arg16 : memref<!tpu.dma_semaphore, #tpu.memory_space<semaphore_mem>>) src(%arg12 : memref<16384xf32, #tpu.memory_space<vmem>>) dst(%dma_wait3A_101 : memref<16384xf32, #tpu.memory_space<hbm>>)
    return
  }
}

</mosaic_0001>

<sc_bundles>
// kernel: kernel.3.cloned.1.call-start
scs
__scs_entry_jumppad:
0x0: {  	(pc) =	sbr.rel $0x88, $3  }
0x1: {  	(tag) =	ssettag $0x0;
	lr =	simm.s32 $0x1  }
0x2: {  	[smem:$0x3F9F] =	sst lr;
	_ =	strace $0xD0000000  }
0x3: {  	_ = 	snop  }
0x4: {  	_ = 	snop  }
0x5: {  	_ = 	snop  }
0x6: {  	_ = 	snop  }
0x7: {  	_ = 	snop  }
__scs_overlays_trampoline_lowered:
0x8: {  	[smem:$0x3FAE] =	sst s0  }
0x9: {  	[smem:$0x3FAF] =	sst s1  }
0xa: {  	[smem:$0x3FB0] =	sst s2  }
0xb: {  	[smem:$0x3FB1] =	sst s3  }
0xc: {  	[smem:$0x3FB2] =	sst s4  }
0xd: {  	[smem:$0x3FB3] =	sst s5  }
0xe: {  	[smem:$0x3FB4] =	sst s6  }
0xf: {  	[smem:$0x3FB5] =	sst s7  }
0x10: {  	[smem:$0x3FB6] =	sst s8  }
0x11: {  	[smem:$0x3FB7] =	sst s9;
	s0 =	simm.s32 @!p0 $0x0  }
0x12: {  	s1 =	sld [smem:$0x3F9D];
	s0 =	simm.s32 @p0 $0x1  }
0x13: {  	[smem:$0x3FB8] =	sst s0;
	s0 =	simm.s32 @!p1 $0x0  }
0x14: {  	s2 =	sld [smem:$0x3F9C];
	s0 =	simm.s32 @p1 $0x1  }
0x15: {  	[smem:$0x3FB9] =	sst s0;
	s0 =	simm.s32 @!p2 $0x0  }
0x16: {  	s3 =	sld [smem:$0x3FDB];
	s0 =	simm.s32 @p2 $0x1  }
0x17: {  	s4 =	simm.s32 $0x1BF5;
	[smem:$0x3FBB] =	sst s0  }
0x18: {  	s0 =	sld [smem:$0x3F9E];
	_ =	swait.ge [sflag:s4], $0x0  }
0x19: {  	s7 =	sld [smem:$0x3F9F]  }
0x1a: {  	s8 =	sadd.s32 $0xFFFFE003, lr  }
0x1b: {  	s9 =	sadd.s32 $0xFFFFFEF7, lr;
	s5 =	simm.s32 $0xFFFFFFFF;
	p2 =	slt.u32 s8, $0xFFFFF086  }
0x1c: {  	p1 =	slt.u32 s9, $0xF7A;
	s5 =	simm.s32 @!p2 $0x0  }
0x1d: {  	s5 =	simm.s32 @p1 $0x1;
	p0 =	seq.s32 s7, s2  }
0x1e: {  	s7 =	smul.u32 @!p0 $0xF7A, s2;
	p2 =	seq.s32 @!p0 s5, $0x0  }
0x1f: {  	s9 =	smul.u32 $0xF7A, s1;
	s8 =	simm.s32 @!p0 $0x1BF5;
	p2 =	por !p2, p0  }
0x20: {  	[sflag:s8] =	ssyncset.s32 @!p0 $0xFFFFF086;
	s6 =	sadd.s32 @!p0 s3, s7;
	s7 =	simm.s32 @!p0 $0x108  }
0x21: {  	s3 =	sadd.s32 s3, s9;
	s6 =	sadd.s32 @!p0 $0x88, s6;
	s7 =	simm.s32 @p2 $0x1082  }
0x22: {  	[simem:s7], [sflag:s8] =	dma.local @!p0 [hbm:s6], $0xF7A  }
0x23: {  	s9 =	sor.u32 $0xD0000000, s2;
	s6 =	simm.s32 $0x108;
	_ =	swait.ge @!p0 [sflag:s8], $0x0  }
0x24: {  	s3 =	sadd.s32 $0x88, s3;
	s6 =	simm.s32 @!p1 $0x1082;
	[sflag:s4] =	ssyncset.s32 $0xFFFFF086  }
0x25: {  	[simem:s6], [sflag:s4] =	dma.local [hbm:s3], $0xF7A  }
0x26: {  	[smem:$0x3F9F] =	sst s1;
	(tag) =	ssettag s2;
	_ =	strace s9  }
0x27: {  	s1 =	sld [smem:$0x3FAF]  }
0x28: {  	s2 =	sld [smem:$0x3FB0]  }
0x29: {  	s4 =	sld [smem:$0x3FB2]  }
0x2a: {  	p0 =	seq.s32 s5, $0x0;
	s5 =	sld [smem:$0x3FB3]  }
0x2b: {  	s6 =	sld [smem:$0x3FB4]  }
0x2c: {  	s7 =	sld [smem:$0x3FB5]  }
0x2d: {  	s3 =	simm.s32 $0x108;
	s8 =	sld [smem:$0x3FB6]  }
0x2e: {  	s3 =	simm.s32 @!p0 $0x1082;
	s9 =	sld [smem:$0x3FB7]  }
0x2f: {  	lr =	sadd.s32 s0, s3;
	s0 =	sld [smem:$0x3FAE]  }
0x30: {  	s3 =	sld [smem:$0x3FB1]  }
0x31: {  	[smem:$0x3FBA] =	sst s10  }
0x32: {  	s10 =	sld [smem:$0x3FB8];
	_ =	sdelay $0x3  }
0x33: {  	p0 =	seq.s32 s10, $0x1;
	s10 =	sld [smem:$0x3FBA];
	_ =	sdelay $0x3  }
0x34: {  	[smem:$0x3FBA] =	sst s10  }
0x35: {  	s10 =	sld [smem:$0x3FB9];
	_ =	sdelay $0x3  }
0x36: {  	p1 =	seq.s32 s10, $0x1;
	s10 =	sld [smem:$0x3FBA];
	_ =	sdelay $0x3  }
0x37: {  	[smem:$0x3FBA] =	sst s10  }
0x38: {  	s10 =	sld [smem:$0x3FBB]  }
0x39: {  	_ = 	snop;
	(pc) =	sbr.ind lr, $3  }
0x3a: {  	_ = 	snop  }
0x3b: {  	_ = 	snop  }
0x3c: {  	p2 =	seq.s32 s10, $0x1;
	s10 =	sld [smem:$0x3FBA]  }
0x3d: {  	_ =	shalt  }
0x3e: {  	_ =	shalt  }
0x3f: {  	_ =	shalt  }
0x40: {  	_ =	shalt  }
0x41: {  	_ =	shalt  }
0x42: {  	_ =	shalt  }
0x43: {  	_ =	shalt  }
0x44: {  	_ =	shalt  }
0x45: {  	_ =	shalt  }
0x46: {  	_ =	shalt  }
0x47: {  	_ =	shalt  }
0x48: {  	_ =	shalt  }
0x49: {  	_ =	shalt  }
0x4a: {  	_ =	shalt  }
0x4b: {  	_ =	shalt  }
0x4c: {  	_ =	shalt  }
0x4d: {  	_ =	shalt  }
0x4e: {  	_ =	shalt  }
0x4f: {  	_ =	shalt  }
0x50: {  	_ =	shalt  }
0x51: {  	_ =	shalt  }
0x52: {  	_ =	shalt  }
0x53: {  	_ =	shalt  }
0x54: {  	_ =	shalt  }
0x55: {  	_ =	shalt  }
0x56: {  	_ =	shalt  }
0x57: {  	_ =	shalt  }
0x58: {  	_ =	shalt  }
0x59: {  	_ =	shalt  }
0x5a: {  	_ =	shalt  }
0x5b: {  	_ =	shalt  }
0x5c: {  	_ =	shalt  }
0x5d: {  	_ =	shalt  }
0x5e: {  	_ =	shalt  }
0x5f: {  	_ =	shalt  }
0x60: {  	_ =	shalt  }
0x61: {  	_ =	shalt  }
0x62: {  	_ =	shalt  }
0x63: {  	_ =	shalt  }
0x64: {  	_ =	shalt  }
0x65: {  	_ =	shalt  }
0x66: {  	_ =	shalt  }
0x67: {  	_ =	shalt  }
0x68: {  	_ =	shalt  }
0x69: {  	_ =	shalt  }
0x6a: {  	_ =	shalt  }
0x6b: {  	_ =	shalt  }
0x6c: {  	_ =	shalt  }
0x6d: {  	_ =	shalt  }
0x6e: {  	_ =	shalt  }
0x6f: {  	_ =	shalt  }
0x70: {  	_ =	shalt  }
0x71: {  	_ =	shalt  }
0x72: {  	_ =	shalt  }
0x73: {  	_ =	shalt  }
0x74: {  	_ =	shalt  }
0x75: {  	_ =	shalt  }
0x76: {  	_ =	shalt  }
0x77: {  	_ =	shalt  }
0x78: {  	_ =	shalt  }
0x79: {  	_ =	shalt  }
0x7a: {  	_ =	shalt  }
0x7b: {  	_ =	shalt  }
0x7c: {  	_ =	shalt  }
0x7d: {  	_ =	shalt  }
0x7e: {  	_ =	shalt  }
0x7f: {  	_ =	shalt  }
0x80: {  	_ =	shalt  }
0x81: {  	_ =	shalt  }
0x82: {  	_ =	shalt  }
0x83: {  	_ =	shalt  }
0x84: {  	_ =	shalt  }
0x85: {  	_ =	shalt  }
0x86: {  	_ =	shalt  }
0x87: {  	_ =	shalt  }
.Lfunc_end0:
.L_simem_size_0:
called_computation_lowered:
.L_overlay_start_0:
0x88: {  	s2 =	sld [smem:$0x3FD9]  }
0x89: {  	s3 =	sld [smem:$0x3FFE];
	_ =	sdelay $0x1  }
0x8a: {  	s1 =	srdreg.scid  }
0x8b: {  	s0 =	sand.u32 $0x1, s1  }
0x8c: {  	s18 =	sshll.u32 s0, $0xA;
	s2 =	sadd.s32 s3, s2  }
0x8d: {  	s2 =	sadd.s32 s2, s18  }
0x8e: {  	[smem:$0x3FC6] =	sst s2  }
0x8f: {  	_ = 	snop  }
0x90: {  	s2 =	sld [smem:$0x3FC9]  }
0x91: {  	s19 =	sld [smem:$0x3FC8]  }
0x92: {  	s4 =	sld [smem:$0x3FD0];
	(tm) =	ssettm $0x1  }
0x93: {  	s5 =	sld [smem:$0x3FFB];
	_ =	sdelay $0x3  }
0x94: {  	_ =	strace s5  }
0x95: {  	s5 =	sld [smem:$0x3FFC];
	_ =	sdelay $0x3  }
0x96: {  	_ =	strace s5  }
0x97: {  	s5 =	sld [smem:$0x3FFD];
	_ =	sdelay $0x3  }
0x98: {  	_ =	strace s5  }
0x99: {  	_ =	strace $0x8FFFFFFF  }
0x9a: {  	s20 =	sld [smem:$0x3FDB];
	_ =	sdelay $0x1  }
0x9b: {  	s6 =	simm.s32 $_scs_section_size  }
0x9c: {  	s7 =	simm.s32 $_size__tile_overlayer_lowered;
	s8 =	simm.s32 $_tile_overlayer_lowered  }
0x9d: {  	s23 =	simm.s32 $0x1BFF;
	s22 =	sshll.u32 s8, $0x1;
	s5 =	sadd.s32 s6, s20  }
0x9e: {  	s9 =	simm.s32 $0x0;
	s21 =	sshll.u32 s7, $0x1;
	s7 =	sadd.s32 s22, s5  }
0x9f: {  	[timem:s9], [sflag:s23] =	dma.local [hbm:s7], s21  }
0xa0: {  	_ =	swait.ge [sflag:s23], s21  }
0xa1: {  	s6 =	ssub.s32 $0x0, s21;
	[sflag:s23] =	ssyncset.done $0x0  }
0xa2: {  	[sflag:s23] =	ssyncadd.s32 s6;
	_ =	sdelay $0x1  }
0xa3: {  	s24 =	simm.s32 $0x1B8B  }
0xa4: {  	_ =	swait.ge [sflag:s24], $0x1  }
0xa5: {  	[sflag:s24] =	ssyncset.done $0x0  }
0xa6: {  	s25 =	simm.s32 $0x1B8E;
	[sflag:s24] =	ssyncadd.s32 $0xFFFFFFFF  }
0xa7: {  	s26 =	simm.s32 $execute0_lowered;
	[smem:$0x3FD2] =	sst s25  }
0xa8: {  	s6 =	sshll.u32 s26, $0x1;
	_ =	strace $0x80000046;
	[dreg:$0x1] =	wrdreg $0xFFFFFFFF  }
0xa9: {  	s28 =	simm.s32 $_size_execute0_lowered;
	s5 =	sadd.s32 s5, s6;
	[dreg:$0x0] =	wrdreg $0x0  }
0xaa: {  	s6 =	sshll.u32 s28, $0x1;
	[dreg:$0x2] =	wrdreg s5  }
0xab: {  	[dreg:$0x3] =	wrdreg s6  }
0xac: {  	[dreg:$0x4] =	wrdreg $0xC0  }
0xad: {  	_ =	task [dreg:s9], $0x5FFFF  }
0xae: {  	[dreg:$0x1] =	wrdreg $0xFFFFFFFF  }
0xaf: {  	[dreg:$0x0] =	wrdreg $0x60  }
0xb0: {  	[dreg:$0x2] =	wrdreg s2  }
0xb1: {  	[dreg:$0x3] =	wrdreg s19  }
0xb2: {  	[dreg:$0x4] =	wrdreg s4  }
0xb3: {  	[dreg:$0x5] =	wrdreg $0x9  }
0xb4: {  	_ =	task.clear_ibuf [dreg:s9], $0x6FFFF;
	_ =	strace $0x90000046  }
0xb5: {  	s29 =	simm.s32 $0x9;
	_ =	strace $0x80000048  }
0xb6: {  	_ =	swait.ge [sflag:s29], $0x1  }
0xb7: {  	[sflag:s29] =	ssyncadd.s32 $0xFFFFFFFF  }
0xb8: {  	_ =	strace $0x90000048  }
0xb9: {  	_ =	sfence  }
0xba: {  	s30 =	sld [smem:$0x0];
	_ =	sdelay $0x2  }
0xbb: {  	s31 =	sshll.u32 s1, $0xD;
	s1 =	sshrl.u32 s1, $0x2  }
0xbc: {  	s3 =	sand.u32 $0x4000, s31;
	s1 =	sadd.s32 s1, s30  }
0xbd: {  	s0 =	sor.u32 s3, s0;
	s1 =	sshll.u32 s1, $0x11  }
0xbe: {  	s0 =	sor.u32 s1, s0  }
0xbf: {  	s0 =	sadd.s32 $0x8F2B, s0  }
0xc0: {  	[sflag:s0] =	ssyncadd.remote.s32 $0x1  }
0xc1: {  	_ =	sfence.sel $0xFFFF  }
0xc2: {  	[dreg:$0x0] =	wrdreg $0xFFFFFFFF;
	(pc) =	sbr.abs _section_cstart, $3  }
0xc3: {  	[dreg:$0x1] =	wrdreg $0xFFFFFFFF  }
0xc4: {  	_ =	task.clear_ibuf [dreg:s9], $0x2FFFF;
	_ =	strace $0x9FFFFFFF  }
0xc5: {  	(tm) =	ssettm $0x7FFFFFFF  }
tec
execute0_lowered:
.L_overlay_start_1:
0x0: {  	(tag) =	ssettag $0x1  }
0x1: {  	v0 =	vimm.f32 $-1.000000000e+00;
	vm0 =	vcmask $0x300  }
0x2: {  	vm14 =	vcmask $0x704;
	v0 =	vsel vm0, $0x3F800000, v0  }
0x3: {  	s1 =	rddreg [dreg:$0x0];
	vm15 =	vcmask $0xB08;
	v0 =	vsel vm14, $0x3F5DDDDE, v0  }
0x4: {  	s2 =	rddreg [dreg:$0x1];
	vm4 =	vcmask $0xF0C;
	v0 =	vsel vm15, $0x3F3BBBBC, v0  }
0x5: {  	s3 =	rddreg [dreg:$0x2];
	s4 =	simm.s32 $0x0;
	vm5 =	vcmask $0x1310;
	v0 =	vsel vm4, $0x3F199999, v0  }
0x6: {  	v1 =	vimm.f32 $1.333333400e-01;
	vm6 =	vcmask $0x1714;
	[smem:$0x7FF] =	sst s4;
	v0 =	vsel vm5, $0x3EEEEEEE, v0  }
0x7: {  	s0 =	rddreg [dreg:$0x3];
	vm7 =	vcmask $0x1B18;
	vm8 =	vcmask $0x1F1C;
	_ =	strace $0x80000047;
	v0 =	vsel vm6, $0x3EAAAAAA, v0  }
0x8: {  	s6 =	srdreg.scid;
	s5 =	stileid.u32;
	v2 =	vimm.s32 $0x87654321;
	(erf) = vrcp.f32 v1;
	v0 =	vsel vm7, $0x3E4CCCC8, v0  }
0x9: {  	vm9 =	vcmask $0x2320;
	vm10 =	vcmask $0x2724;
	s12 =	simm.s32 $0x200;
	s13 =	simm.s32 $0x4200;
	s14 =	simm.s32 $0x5;
	v0 =	vsel vm8, $0x3D888880, v0  }
0xa: {  	vm11 =	vcmask $0x2B28;
	s15 =	simm.s32 $0x80;
	s16 =	simm.s32 $0x1;
	s17 =	simm.s32 $0x100;
	v1 =	vimm.s32 $0xFEDCBA9;
	v0 =	vsel vm9, $0xBD888890, v0  }
0xb: {  	s18 =	simm.s32 $0x180;
	s19 =	simm.s32 $0x8200;
	s20 =	simm.s32 $0x2;
	v2 =	vunpack.c.l.s4.s8 v2;
	v1 =	vunpack.c.l.s4.s8 v1;
	v0 =	vsel vm10, $0xBE4CCCD0, v0  }
0xc: {  	vm12 =	vcmask $0x2F2C;
	vm13 =	vcmask $0x3330;
	s21 =	simm.s32 $0x4;
	s22 =	simm.s32 $0xC200;
	s7 =	sand.u32 $0x1, s6;
	v0 =	vsel vm11, $0xBEAAAAAC, v0  }
.Ltmp0:
0xd: {  	s29 =	sshll.u32 s5, $0x14;
	s8 =	sshll.u32 s7, $0x13;
	v2 =	vunpack.c.0.s8.s32 v2;
	v1 =	vunpack.c.0.s8.s32 v1;
	v0 =	vsel vm12, $0xBEEEEEF0, v0;
	(pc) =	sbr.rel .LBB2_1-.Ltmp0, $4  }
0xe: {  	s23 =	simm.s32 $0x3;
	s30 =	ssub.s32 $0x2, s7;
	s6 =	sor.u32 s8, s29;
	v0 =	vsel vm13, $0xBF19999C, v0  }
0xf: {  	s24 =	simm.s32 $0x0;
	vm14 =	vcmask $0x3734;
	s9 =	sshrl.u32 s30, $0x1;
	s31 =	sshrl.u32 s6, $0x3;
	v1 =	vcombine.low v2, v1  }
0x10: {  	vm15 =	vcmask $0x3B38;
	s11 =	ssub.s32 s30, s9;
	s9 =	sor.u32 $0x8000, s6;
	s7 =	sadd.s32 s1, s31;
	v3 =	vsel vm14, $0xBF3BBBBE, v0  }
0x11: {  	s10 =	sor.u32 $0xC000, s6;
	s11 =	smax.u32 s11, $0x1;
	s8 =	sadd.s32 $0x800, s7;
	v2 =	vlaneseq.u32;
	v1 =	vand.u32 $0xF, v1;
	v3 =	vsel vm15, $0xBF5DDDE0, v3;
	v0 =	vpop (erf)  }
.LBB2_12:
0x12: {  	s24 =	sadd.s32 $0x1, s24  }
0x13: {  	_ =	swait.ge [sflag:s23], $0x4000;
	p0 =	sne.s32 s24, s11  }
.Ltmp1:
0x14: {  	[sflag:s23] =	ssyncset.done $0x0;
	(pc) =	sbr.rel @!p0 .LBB2_13-.Ltmp1, $4  }
0x15: {  	[sflag:s23] =	ssyncadd.s32 $0xFFFFC000  }
0x16: {  	_ =	swait.ge [sflag:s21], $0x4000  }
0x17: {  	[sflag:s21] =	ssyncset.done $0x0  }
0x18: {  	[sflag:s21] =	ssyncadd.s32 $0xFFFFC000  }
.LBB2_1:
0x19: {  	[tilespmem:s12], [sflag:$0x1] =	stream.linear.gather [hbm4b:s7+s4], $0x4000, $0x38;
	[tilespmem:$0x10200] =	vst v63  }
0x1a: {  	_ = 	snop  }
0x1b: {  	[tilespmem:s13], [sflag:$0x2] =	stream.linear.gather [hbm4b:s8+s4], $0x4000, $0x38;
	[tilespmem:$0x10200] =	vst v63  }
0x1c: {  	_ = 	snop  }
0x1d: {  	[tilespmem:s4], [sflag:$0x5] =	stream.linear.gather [hbm4b:s2+s4], $0x80, $0x38;
	[tilespmem:$0x10200] =	vst v63  }
0x1e: {  	_ =	swait.ge [sflag:s14], $0x80  }
0x1f: {  	[sflag:s14] =	ssyncset.done $0x0  }
0x20: {  	[sflag:s14] =	ssyncadd.s32 $0xFFFFFF80  }
0x21: {  	v4 =	vld [tilespmem:$0x0];
	_ =	sdelay $0x4  }
0x22: {  	v5 =	vand.u32 $0x7FFFFFFF, v4  }
0x23: {  	v5 =	vsub.f32 $0.0e+00, v5;
	_ =	sdelay $0x1  }
0x24: {  	v5 =	vmul.f32 $1.442695020e+00, v5;
	_ =	sdelay $0x1  }
0x25: {  	(erf) = vpow2.f32 v5;
	_ =	sdelay $0x8  }
0x26: {  	v5 =	vpop (erf)  }
0x27: {  	v6 =	vmul.f32 $-3.333333430e-01, v5;
	_ =	sdelay $0x1  }
0x28: {  	v6 =	vadd.f32 $5.000000000e-01, v6;
	_ =	sdelay $0x1  }
0x29: {  	v6 =	vmul.f32 v6, v5;
	_ =	sdelay $0x1  }
0x2a: {  	v6 =	vsub.f32 $1.000000000e+00, v6;
	_ =	sdelay $0x1  }
0x2b: {  	v6 =	vmul.f32 v6, v5;
	_ =	sdelay $0x1  }
0x2c: {  	v7 =	vsub.f32 $0.0e+00, v6;
	_ =	sdelay $0x1  }
0x2d: {  	v7 =	vmul.f32 $1.442695020e+00, v7;
	_ =	sdelay $0x1  }
0x2e: {  	(erf) = vpow2.f32 v7;
	_ =	sdelay $0x7  }
0x2f: {  	v5 =	vadd.f32 $1.000000000e+00, v5  }
0x30: {  	v7 =	vpop (erf)  }
0x31: {  	v6 =	vadd.f32 $-1.000000000e+00, v6;
	v7 =	vmul.f32 v7, v5;
	_ =	sdelay $0x1  }
0x32: {  	v6 =	vadd.f32 v7, v6;
	_ =	sdelay $0x1  }
0x33: {  	v7 =	vsub.f32 $0.0e+00, v6;
	_ =	sdelay $0x1  }
0x34: {  	v7 =	vmul.f32 $1.442695020e+00, v7;
	_ =	sdelay $0x1  }
0x35: {  	(erf) = vpow2.f32 v7;
	_ =	sdelay $0x8  }
0x36: {  	v7 =	vpop (erf)  }
0x37: {  	v6 =	vadd.f32 $-1.000000000e+00, v6;
	v7 =	vmul.f32 v7, v5;
	_ =	sdelay $0x1  }
0x38: {  	v6 =	vadd.f32 v7, v6;
	_ =	sdelay $0x1  }
0x39: {  	v7 =	vsub.f32 $0.0e+00, v6;
	_ =	sdelay $0x1  }
0x3a: {  	v7 =	vmul.f32 $1.442695020e+00, v7;
	_ =	sdelay $0x1  }
0x3b: {  	(erf) = vpow2.f32 v7;
	_ =	sdelay $0x8  }
0x3c: {  	v7 =	vpop (erf)  }
0x3d: {  	v6 =	vadd.f32 $-1.000000000e+00, v6;
	v5 =	vmul.f32 v7, v5;
	_ =	sdelay $0x1  }
0x3e: {  	v5 =	vadd.f32 v5, v6  }
0x3f: {  	v4 =	vmax.f32 v4, $0.0e+00  }
0x40: {  	v4 =	vadd.f32 v5, v4;
	_ =	sdelay $0x1  }
0x41: {  	(xrf2) =	vadd.scan.msk.f32 $0xffff, v4;
	_ =	sdelay $0x9  }
0x42: {  	v5, _, _ =	vpop (xrf2)  }
0x43: {  	(xrf0) =	vmax.scan.msk.f32 $0xffff, v5;
	_ =	sdelay $0x5  }
0x44: {  	v61, _, _ =	vpop (xrf0)  }
0x45: {  	(v2sf) =	vpush v61, $0xF;
	_ =	sdelay $0xe  }
0x46: {  	s25 =	spop (v2sf)  }
0x47: {  	s25 =	sadd.f32 $9.999999970e-07, s25;
	_ =	sdelay $0x1  }
0x48: {  	v62 =	vmov s25  }
0x49: {  	(erf) = vrcp.f32 v62  }
0x4a: {  	[tilespmem:$0x80] =	vst v4  }
0x4b: {  	v4 =	vld.idx.msk [tilespmem:v1+s15+$0x0], $0xffff;
	_ =	sdelay $0x3  }
0x4c: {  	vm0 =	veq.s32 v2, $0xF  }
0x4d: {  	v4 =	vsel vm0, $0x0, v4  }
0x4e: {  	v4 =	vadd.f32 v5, v4  }
0x4f: {  	v6 =	vpop (erf)  }
0x50: {  	v5 =	vmul.f32 v6, v5;
	v4 =	vmul.f32 v6, v4;
	_ =	sdelay $0x1  }
0x51: {  	v4 =	vsub.f32 v4, v5;
	_ =	sdelay $0x1  }
0x52: {  	v4 =	vmul.f32 v4, v0;
	_ =	sdelay $0x1  }
0x53: {  	v63 =	vmul.f32 v3, v4;
	_ =	sdelay $0x1  }
0x54: {  	v5 =	vadd.f32 v63, v5  }
0x55: {  	[tilespmem:$0x180] =	vst v4  }
0x56: {  	s25 =	simm.s32 $0x0;
	[tilespmem:$0x100] =	vst v5  }
.LBB2_2:
0x57: {  	_ =	swait.ge [sflag:s16], $0x4000  }
0x58: {  	p0 =	seq.s32 s25, $0x0;
	[sflag:s16] =	ssyncset.done $0x0  }
0x59: {  	s26 =	simm.s32 @!p0 $0x3;
	[sflag:s16] =	ssyncadd.s32 $0xFFFFC000  }
0x5a: {  	_ =	swait.ge @!p0 [sflag:s26], $0x4000  }
0x5b: {  	[sflag:s26] =	ssyncset.done @!p0 $0x0  }
0x5c: {  	s31 =	simm.s32 $0x220;
	[sflag:s26] =	ssyncadd.s32 @!p0 $0xFFFFC000  }
0x5d: {  	v4 =	vld [tilespmem:s31+$0x10]  }
0x5e: {  	v5 =	vld [tilespmem:s31+$0xFFFFFFF0]  }
0x5f: {  	v6 =	vld [tilespmem:s31+$0xFFFFFFE0]  }
0x60: {  	v7 =	vld [tilespmem:s31+$0x0];
	_ =	sdelay $0x1  }
0x61: {  	v4 =	vmax.f32 v4, $-1.000000000e+00  }
0x62: {  	v5 =	vmax.f32 v5, $-1.000000000e+00;
	v8 =	vmin.f32 v4, $1.000000000e+00  }
0x63: {  	v9 =	vmin.f32 v5, $1.000000000e+00;
	v4 =	vmul.f32 $7.500000000e+00, v8  }
0x64: {  	v7 =	vmax.f32 v7, $-1.000000000e+00;
	v5 =	vmax.f32 v6, $-1.000000000e+00;
	v6 =	vmul.f32 $7.500000000e+00, v9  }
0x65: {  	v7 =	vmin.f32 v7, $1.000000000e+00;
	v10 =	vmin.f32 v5, $1.000000000e+00;
	v4 =	vadd.f32 $1.258291900e+07, v4  }
0x66: {  	s31 =	simm.s32 $0x260;
	v11 =	vmul.f32 $7.500000000e+00, v7;
	v5 =	vmul.f32 $7.500000000e+00, v10;
	v6 =	vadd.f32 $1.258291900e+07, v6  }
0x67: {  	v13 =	vld [tilespmem:s31+$0xFFFFFFF0];
	v4 =	vand.u32 $0xFFFF, v4  }
0x68: {  	v12 =	vld [tilespmem:s31+$0x10];
	v11 =	vadd.f32 $1.258291900e+07, v11;
	v5 =	vadd.f32 $1.258291900e+07, v5;
	v6 =	vand.u32 $0xFFFF, v6  }
0x69: {  	v14 =	vld [tilespmem:s31+$0x0]  }
0x6a: {  	v11 =	vand.u32 $0xFFFF, v11;
	v15 =	vand.u32 $0xFFFF, v5;
	v5 =	vld [tilespmem:s31+$0xFFFFFFE0];
	s31 =	simm.s32 $0x2A0  }
0x6b: {  	v24 =	vld [tilespmem:s31+$0x10]  }
0x6c: {  	v13 =	vmax.f32 v13, $-1.000000000e+00;
	v16 =	vld.idx.msk [tilespmem:v4+s18+$0x0], $0xffff  }
0x6d: {  	v12 =	vmax.f32 v12, $-1.000000000e+00;
	v22 =	vmin.f32 v13, $1.000000000e+00;
	v17 =	vld.idx.msk [tilespmem:v6+s18+$0x0], $0xffff  }
0x6e: {  	v18 =	vmin.f32 v12, $1.000000000e+00;
	v19 =	vmul.f32 $7.500000000e+00, v22;
	v12 =	vld.idx.msk [tilespmem:v4+s17+$0x0], $0xffff  }
0x6f: {  	v4 =	vmul.f32 $7.500000000e+00, v18;
	v20 =	vld.idx.msk [tilespmem:v11+s18+$0x0], $0xffff;
	v5 =	vmax.f32 v5, $-1.000000000e+00  }
0x70: {  	v14 =	vmax.f32 v14, $-1.000000000e+00;
	v19 =	vadd.f32 $1.258291900e+07, v19;
	v6 =	vld.idx.msk [tilespmem:v6+s17+$0x0], $0xffff;
	v5 =	vmin.f32 v5, $1.000000000e+00  }
0x71: {  	v13 =	vld.idx.msk [tilespmem:v15+s18+$0x0], $0xffff;
	v21 =	vadd.f32 $1.258291900e+07, v4;
	v4 =	vmin.f32 v14, $1.000000000e+00;
	v14 =	vmul.f32 $7.500000000e+00, v5  }
0x72: {  	v25 =	vand.u32 $0xFFFF, v19;
	v11 =	vld.idx.msk [tilespmem:v11+s17+$0x0], $0xffff;
	v23 =	vmul.f32 $7.500000000e+00, v4  }
0x73: {  	v15 =	vld.idx.msk [tilespmem:v15+s17+$0x0], $0xffff;
	v21 =	vand.u32 $0xFFFF, v21;
	v14 =	vadd.f32 $1.258291900e+07, v14  }
0x74: {  	v19 =	vadd.f32 $1.258291900e+07, v23;
	v23 =	vld [tilespmem:s31+$0xFFFFFFF0]  }
0x75: {  	v8 =	vmul.f32 v8, v16;
	v16 =	vld [tilespmem:s31+$0x0];
	v14 =	vand.u32 $0xFFFF, v14  }
0x76: {  	v9 =	vmul.f32 v9, v17;
	v10 =	vmul.f32 v10, v13;
	v13 =	vld [tilespmem:s31+$0xFFFFFFE0];
	v26 =	vand.u32 $0xFFFF, v19  }
0x77: {  	v63 =	vld.idx.msk [tilespmem:v25+s18+$0x0], $0xffff;
	v7 =	vmul.f32 v7, v20;
	v8 =	vadd.f32 v8, v12  }
0x78: {  	v10 =	vadd.f32 v10, v15;
	v15 =	vadd.f32 v9, v6;
	v6 =	vmax.f32 v24, $-1.000000000e+00;
	v17 =	vld.idx.msk [tilespmem:v21+s18+$0x0], $0xffff  }
0x79: {  	v27 =	vadd.f32 v7, v11;
	v7 =	vmin.f32 v6, $1.000000000e+00;
	v9 =	vld.idx.msk [tilespmem:v21+s17+$0x0], $0xffff;
	v11 =	vmax.f32 v23, $-1.000000000e+00  }
0x7a: {  	s28 =	simm.s32 $0x8220;
	v12 =	vmax.f32 v16, $-1.000000000e+00;
	v16 =	vmul.f32 $7.500000000e+00, v7;
	v6 =	vmin.f32 v11, $1.000000000e+00;
	v11 =	vld.idx.msk [tilespmem:v14+s18+$0x0], $0xffff  }
0x7b: {  	[tilespmem:s28+$0x10] =	vst v8;
	v13 =	vmax.f32 v13, $-1.000000000e+00;
	v8 =	vmin.f32 v12, $1.000000000e+00;
	v20 =	vmul.f32 $7.500000000e+00, v6;
	v12 =	vld.idx.msk [tilespmem:v26+s18+$0x0], $0xffff  }
0x7c: {  	[tilespmem:s28+$0xFFFFFFE0] =	vst v10;
	v10 =	vmin.f32 v13, $1.000000000e+00;
	v21 =	vmul.f32 $7.500000000e+00, v8;
	v16 =	vadd.f32 $1.258291900e+07, v16;
	v13 =	vld.idx.msk [tilespmem:v14+s17+$0x0], $0xffff  }
0x7d: {  	[tilespmem:s28+$0x0] =	vst v27;
	v14 =	vld.idx.msk [tilespmem:v25+s17+$0x0], $0xffff;
	v19 =	vmul.f32 $7.500000000e+00, v10;
	v18 =	vmul.f32 v18, v17;
	v20 =	vadd.f32 $1.258291900e+07, v20  }
0x7e: {  	s29 =	simm.s32 $0x80;
	s30 =	simm.s32 $0x2E0;
	s26 =	sshll.u32 s25, $0xF;
	[tilespmem:s28+$0xFFFFFFF0] =	vst v15;
	v15 =	vld.idx.msk [tilespmem:v26+s17+$0x0], $0xffff;
	v21 =	vadd.f32 $1.258291900e+07, v21;
	v16 =	vand.u32 $0xFFFF, v16;
	v17 =	vmul.f32 v22, v63  }
.LBB2_3:
0x7f: {  	v22 =	vld [tilespmem:s30+$0x10];
	s29 =	sadd.s32 $0x40, s29;
	v19 =	vadd.f32 $1.258291900e+07, v19;
	v23 =	vand.u32 $0xFFFF, v20;
	v9 =	vadd.f32 v18, v9  }
0x80: {  	v11 =	vmul.f32 v5, v11;
	s28 =	sadd.s32 $0x40, s28;
	v5 =	vmov v10;
	v18 =	vld [tilespmem:s30+$0xFFFFFFF0];
	p1 =	slt.u32 s29, $0x3FC0;
	v24 =	vand.u32 $0xFFFF, v21  }
0x81: {  	v12 =	vmul.f32 v4, v12;
	v4 =	vmov v8;
	v10 =	vld [tilespmem:s30+$0x0];
	v19 =	vand.u32 $0xFFFF, v19;
	[tilespmem:s28+$0x10] =	vst v9  }
0x82: {  	v9 =	vadd.f32 v11, v13;
	v8 =	vld [tilespmem:s30+$0xFFFFFFE0]  }
0x83: {  	v11 =	vadd.f32 v17, v14;
	v21 =	vld.idx.msk [tilespmem:v16+s18+$0x0], $0xffff  }
0x84: {  	v12 =	vadd.f32 v12, v15;
	v13 =	vmax.f32 v22, $-1.000000000e+00;
	v17 =	vld.idx.msk [tilespmem:v23+s18+$0x0], $0xffff;
	[tilespmem:s28+$0xFFFFFFE0] =	vst v9  }
0x85: {  	v14 =	vmax.f32 v18, $-1.000000000e+00;
	v15 =	vmin.f32 v13, $1.000000000e+00;
	v9 =	vld.idx.msk [tilespmem:v16+s17+$0x0], $0xffff;
	[tilespmem:s28+$0xFFFFFFF0] =	vst v11  }
.Ltmp2:
0x86: {  	v22 =	vmin.f32 v14, $1.000000000e+00;
	v10 =	vmax.f32 v10, $-1.000000000e+00;
	v13 =	vmul.f32 $7.500000000e+00, v15;
	v11 =	vld.idx.msk [tilespmem:v19+s18+$0x0], $0xffff;
	[tilespmem:s28+$0x0] =	vst v12;
	(pc) =	sbr.rel @p1 .LBB2_3-.Ltmp2, $4  }
0x87: {  	v14 =	vmax.f32 v8, $-1.000000000e+00;
	v16 =	vmul.f32 $7.500000000e+00, v22;
	v8 =	vmin.f32 v10, $1.000000000e+00;
	v12 =	vld.idx.msk [tilespmem:v24+s18+$0x0], $0xffff  }
0x88: {  	v10 =	vmin.f32 v14, $1.000000000e+00;
	v25 =	vmul.f32 $7.500000000e+00, v8;
	v26 =	vadd.f32 $1.258291900e+07, v13;
	v13 =	vld.idx.msk [tilespmem:v19+s17+$0x0], $0xffff  }
0x89: {  	v18 =	vmul.f32 v7, v21;
	v7 =	vmovc v15;
	v19 =	vmul.f32 $7.500000000e+00, v10;
	v20 =	vadd.f32 $1.258291900e+07, v16;
	v14 =	vld.idx.msk [tilespmem:v23+s17+$0x0], $0xffff  }
0x8a: {  	s30 =	sadd.s32 $0x40, s30;
	v17 =	vmul.f32 v6, v17;
	v6 =	vmovc v22;
	v21 =	vadd.f32 $1.258291900e+07, v25;
	v16 =	vand.u32 $0xFFFF, v26;
	v15 =	vld.idx.msk [tilespmem:v24+s17+$0x0], $0xffff  }
0x8b: {  	_ = 	snop  }
0x8c: {  	v20 =	vand.u32 $0xFFFF, v20  }
0x8d: {  	v19 =	vadd.f32 $1.258291900e+07, v19  }
0x8e: {  	v21 =	vand.u32 $0xFFFF, v21  }
0x8f: {  	v22 =	vld.idx.msk [tilespmem:v16+s18+$0x0], $0xffff;
	v19 =	vand.u32 $0xFFFF, v19  }
0x90: {  	v58 =	vld.idx.msk [tilespmem:v16+s17+$0x0], $0xffff  }
0x91: {  	v23 =	vld.idx.msk [tilespmem:v20+s18+$0x0], $0xffff  }
0x92: {  	v61 =	vld.idx.msk [tilespmem:v20+s17+$0x0], $0xffff  }
0x93: {  	v5 =	vmul.f32 v5, v11;
	v59 =	vld.idx.msk [tilespmem:v21+s18+$0x0], $0xffff  }
0x94: {  	v9 =	vadd.f32 v18, v9;
	v4 =	vmul.f32 v4, v12;
	v24 =	vld.idx.msk [tilespmem:v19+s18+$0x0], $0xffff  }
0x95: {  	s28 =	sadd.s32 $0x40, s28;
	v5 =	vadd.f32 v5, v13;
	v63 =	vld.idx.msk [tilespmem:v21+s17+$0x0], $0xffff  }
0x96: {  	[tilespmem:s28+$0x10] =	vst v9;
	v4 =	vadd.f32 v4, v15;
	v7 =	vmul.f32 v7, v22;
	v60 =	vld.idx.msk [tilespmem:v19+s17+$0x0], $0xffff  }
0x97: {  	v62 =	vadd.f32 v17, v14;
	[tilespmem:s28+$0xFFFFFFE0] =	vst v5;
	v6 =	vmul.f32 v6, v23  }
0x98: {  	[tilespmem:s28+$0x0] =	vst v4;
	v7 =	vadd.f32 v7, v58;
	v4 =	vmul.f32 v8, v59  }
0x99: {  	p1 =	sne.s32 s25, $0xF;
	s29 =	sadd.s32 $0x40, s28;
	[tilespmem:s28+$0xFFFFFFF0] =	vst v62;
	v5 =	vmul.f32 v10, v24;
	v6 =	vadd.f32 v6, v61  }
.Ltmp3:
0x9a: {  	[tilespmem:s29+$0x10] =	vst v7;
	v4 =	vadd.f32 v4, v63;
	(pc) =	sbr.rel @p1 .LBB2_6-.Ltmp3, $4  }
0x9b: {  	s28 =	sor.u32 s6, s26;
	v5 =	vadd.f32 v5, v60;
	[tilespmem:s29+$0xFFFFFFF0] =	vst v6  }
0x9c: {  	s28 =	sshrl.u32 s28, $0x3;
	[tilespmem:s29+$0x0] =	vst v4  }
0x9d: {  	s31 =	sadd.s32 s3, s28;
	[tilespmem:s29+$0xFFFFFFE0] =	vst v5  }
0x9e: {  	[hbm4b:s31+s4] =	stream.linear.scatter [tilespmem:s19], [sflag:$0x3], $0x4000, $0x38;
	[tilespmem:$0x10200] =	vst v63  }
.Ltmp4:
0x9f: {  	(pc) =	sbr.rel .LBB2_7-.Ltmp4, $4  }
0xa0: {  	_ = 	snop  }
0xa1: {  	_ =	swait.ge [sflag:s20], $0x4000  }
0xa2: {  	[sflag:s20] =	ssyncset.done $0x0  }
0xa3: {  	[sflag:s20] =	ssyncadd.s32 $0xFFFFC000  }
.LBB2_6:
0xa4: {  	s29 =	sadd.s32 s26, s9  }
0xa5: {  	s29 =	sshrl.u32 s29, $0x3  }
.Ltmp5:
0xa6: {  	s29 =	sadd.s32 s1, s29;
	(pc) =	sbr.rel @p0 .LBB2_8-.Ltmp5, $4  }
0xa7: {  	[tilespmem:s12], [sflag:$0x1] =	stream.linear.gather [hbm4b:s29+s4], $0x4000, $0x38;
	[tilespmem:$0x10200] =	vst v63  }
0xa8: {  	_ =	swait.ge [sflag:s20], $0x4000  }
0xa9: {  	[sflag:s20] =	ssyncset.done $0x0  }
0xaa: {  	[sflag:s20] =	ssyncadd.s32 $0xFFFFC000  }
.LBB2_7:
0xab: {  	_ =	swait.ge [sflag:s21], $0x4000  }
0xac: {  	[sflag:s21] =	ssyncset.done $0x0  }
0xad: {  	[sflag:s21] =	ssyncadd.s32 $0xFFFFC000  }
.LBB2_8:
0xae: {  	s29 =	simm.s32 $0x4220  }
0xaf: {  	v4 =	vld [tilespmem:s29+$0x10]  }
0xb0: {  	v5 =	vld [tilespmem:s29+$0xFFFFFFF0]  }
0xb1: {  	v6 =	vld [tilespmem:s29+$0xFFFFFFE0]  }
0xb2: {  	v7 =	vld [tilespmem:s29+$0x0];
	_ =	sdelay $0x1  }
0xb3: {  	v4 =	vmax.f32 v4, $-1.000000000e+00  }
0xb4: {  	v5 =	vmax.f32 v5, $-1.000000000e+00;
	v8 =	vmin.f32 v4, $1.000000000e+00  }
0xb5: {  	v9 =	vmin.f32 v5, $1.000000000e+00;
	v4 =	vmul.f32 $7.500000000e+00, v8  }
0xb6: {  	v7 =	vmax.f32 v7, $-1.000000000e+00;
	v5 =	vmax.f32 v6, $-1.000000000e+00;
	v6 =	vmul.f32 $7.500000000e+00, v9  }
0xb7: {  	v7 =	vmin.f32 v7, $1.000000000e+00;
	v10 =	vmin.f32 v5, $1.000000000e+00;
	v4 =	vadd.f32 $1.258291900e+07, v4  }
0xb8: {  	s29 =	simm.s32 $0x4260;
	v11 =	vmul.f32 $7.500000000e+00, v7;
	v5 =	vmul.f32 $7.500000000e+00, v10;
	v6 =	vadd.f32 $1.258291900e+07, v6  }
0xb9: {  	v13 =	vld [tilespmem:s29+$0xFFFFFFF0];
	v4 =	vand.u32 $0xFFFF, v4  }
0xba: {  	v12 =	vld [tilespmem:s29+$0x10];
	v11 =	vadd.f32 $1.258291900e+07, v11;
	v5 =	vadd.f32 $1.258291900e+07, v5;
	v6 =	vand.u32 $0xFFFF, v6  }
0xbb: {  	v14 =	vld [tilespmem:s29+$0x0]  }
0xbc: {  	v11 =	vand.u32 $0xFFFF, v11;
	v15 =	vand.u32 $0xFFFF, v5;
	v5 =	vld [tilespmem:s29+$0xFFFFFFE0];
	s29 =	simm.s32 $0x42A0  }
0xbd: {  	v24 =	vld [tilespmem:s29+$0x10]  }
0xbe: {  	v13 =	vmax.f32 v13, $-1.000000000e+00;
	v16 =	vld.idx.msk [tilespmem:v4+s18+$0x0], $0xffff  }
0xbf: {  	v12 =	vmax.f32 v12, $-1.000000000e+00;
	v22 =	vmin.f32 v13, $1.000000000e+00;
	v17 =	vld.idx.msk [tilespmem:v6+s18+$0x0], $0xffff  }
0xc0: {  	v18 =	vmin.f32 v12, $1.000000000e+00;
	v19 =	vmul.f32 $7.500000000e+00, v22;
	v12 =	vld.idx.msk [tilespmem:v4+s17+$0x0], $0xffff  }
0xc1: {  	v4 =	vmul.f32 $7.500000000e+00, v18;
	v20 =	vld.idx.msk [tilespmem:v11+s18+$0x0], $0xffff;
	v5 =	vmax.f32 v5, $-1.000000000e+00  }
0xc2: {  	v14 =	vmax.f32 v14, $-1.000000000e+00;
	v19 =	vadd.f32 $1.258291900e+07, v19;
	v6 =	vld.idx.msk [tilespmem:v6+s17+$0x0], $0xffff;
	v5 =	vmin.f32 v5, $1.000000000e+00  }
0xc3: {  	v13 =	vld.idx.msk [tilespmem:v15+s18+$0x0], $0xffff;
	v21 =	vadd.f32 $1.258291900e+07, v4;
	v4 =	vmin.f32 v14, $1.000000000e+00;
	v14 =	vmul.f32 $7.500000000e+00, v5  }
0xc4: {  	v25 =	vand.u32 $0xFFFF, v19;
	v11 =	vld.idx.msk [tilespmem:v11+s17+$0x0], $0xffff;
	v23 =	vmul.f32 $7.500000000e+00, v4  }
0xc5: {  	v15 =	vld.idx.msk [tilespmem:v15+s17+$0x0], $0xffff;
	v21 =	vand.u32 $0xFFFF, v21;
	v14 =	vadd.f32 $1.258291900e+07, v14  }
0xc6: {  	v19 =	vadd.f32 $1.258291900e+07, v23;
	v23 =	vld [tilespmem:s29+$0xFFFFFFF0]  }
0xc7: {  	v8 =	vmul.f32 v8, v16;
	v16 =	vld [tilespmem:s29+$0x0];
	v14 =	vand.u32 $0xFFFF, v14  }
0xc8: {  	v9 =	vmul.f32 v9, v17;
	v10 =	vmul.f32 v10, v13;
	v13 =	vld [tilespmem:s29+$0xFFFFFFE0];
	v26 =	vand.u32 $0xFFFF, v19  }
0xc9: {  	v63 =	vld.idx.msk [tilespmem:v25+s18+$0x0], $0xffff;
	v7 =	vmul.f32 v7, v20;
	v8 =	vadd.f32 v8, v12  }
0xca: {  	v10 =	vadd.f32 v10, v15;
	v15 =	vadd.f32 v9, v6;
	v6 =	vmax.f32 v24, $-1.000000000e+00;
	v17 =	vld.idx.msk [tilespmem:v21+s18+$0x0], $0xffff  }
0xcb: {  	v27 =	vadd.f32 v7, v11;
	v7 =	vmin.f32 v6, $1.000000000e+00;
	v9 =	vld.idx.msk [tilespmem:v21+s17+$0x0], $0xffff;
	v11 =	vmax.f32 v23, $-1.000000000e+00  }
0xcc: {  	s29 =	simm.s32 $0xC220;
	v12 =	vmax.f32 v16, $-1.000000000e+00;
	v16 =	vmul.f32 $7.500000000e+00, v7;
	v6 =	vmin.f32 v11, $1.000000000e+00;
	v11 =	vld.idx.msk [tilespmem:v14+s18+$0x0], $0xffff  }
0xcd: {  	[tilespmem:s29+$0x10] =	vst v8;
	v13 =	vmax.f32 v13, $-1.000000000e+00;
	v8 =	vmin.f32 v12, $1.000000000e+00;
	v20 =	vmul.f32 $7.500000000e+00, v6;
	v12 =	vld.idx.msk [tilespmem:v26+s18+$0x0], $0xffff  }
0xce: {  	[tilespmem:s29+$0xFFFFFFE0] =	vst v10;
	v10 =	vmin.f32 v13, $1.000000000e+00;
	v21 =	vmul.f32 $7.500000000e+00, v8;
	v16 =	vadd.f32 $1.258291900e+07, v16;
	v13 =	vld.idx.msk [tilespmem:v14+s17+$0x0], $0xffff  }
0xcf: {  	[tilespmem:s29+$0x0] =	vst v27;
	v14 =	vld.idx.msk [tilespmem:v25+s17+$0x0], $0xffff;
	v19 =	vmul.f32 $7.500000000e+00, v10;
	v18 =	vmul.f32 v18, v17;
	v20 =	vadd.f32 $1.258291900e+07, v20  }
0xd0: {  	s30 =	simm.s32 $0x80;
	s31 =	simm.s32 $0x42E0;
	[tilespmem:s29+$0xFFFFFFF0] =	vst v15;
	v15 =	vld.idx.msk [tilespmem:v26+s17+$0x0], $0xffff;
	v21 =	vadd.f32 $1.258291900e+07, v21;
	v16 =	vand.u32 $0xFFFF, v16;
	v17 =	vmul.f32 v22, v63  }
.LBB2_9:
0xd1: {  	v22 =	vld [tilespmem:s31+$0x10];
	s30 =	sadd.s32 $0x40, s30;
	v19 =	vadd.f32 $1.258291900e+07, v19;
	v23 =	vand.u32 $0xFFFF, v20;
	v9 =	vadd.f32 v18, v9  }
0xd2: {  	v11 =	vmul.f32 v5, v11;
	s29 =	sadd.s32 $0x40, s29;
	v5 =	vmov v10;
	v18 =	vld [tilespmem:s31+$0xFFFFFFF0];
	p0 =	slt.u32 s30, $0x3FC0;
	v24 =	vand.u32 $0xFFFF, v21  }
0xd3: {  	v12 =	vmul.f32 v4, v12;
	v4 =	vmov v8;
	v10 =	vld [tilespmem:s31+$0x0];
	v19 =	vand.u32 $0xFFFF, v19;
	[tilespmem:s29+$0x10] =	vst v9  }
0xd4: {  	v9 =	vadd.f32 v11, v13;
	v8 =	vld [tilespmem:s31+$0xFFFFFFE0]  }
0xd5: {  	v11 =	vadd.f32 v17, v14;
	v21 =	vld.idx.msk [tilespmem:v16+s18+$0x0], $0xffff  }
0xd6: {  	v12 =	vadd.f32 v12, v15;
	v13 =	vmax.f32 v22, $-1.000000000e+00;
	v17 =	vld.idx.msk [tilespmem:v23+s18+$0x0], $0xffff;
	[tilespmem:s29+$0xFFFFFFE0] =	vst v9  }
0xd7: {  	v14 =	vmax.f32 v18, $-1.000000000e+00;
	v15 =	vmin.f32 v13, $1.000000000e+00;
	v9 =	vld.idx.msk [tilespmem:v16+s17+$0x0], $0xffff;
	[tilespmem:s29+$0xFFFFFFF0] =	vst v11  }
.Ltmp6:
0xd8: {  	v22 =	vmin.f32 v14, $1.000000000e+00;
	v10 =	vmax.f32 v10, $-1.000000000e+00;
	v13 =	vmul.f32 $7.500000000e+00, v15;
	v11 =	vld.idx.msk [tilespmem:v19+s18+$0x0], $0xffff;
	[tilespmem:s29+$0x0] =	vst v12;
	(pc) =	sbr.rel @p0 .LBB2_9-.Ltmp6, $4  }
0xd9: {  	v14 =	vmax.f32 v8, $-1.000000000e+00;
	v16 =	vmul.f32 $7.500000000e+00, v22;
	v8 =	vmin.f32 v10, $1.000000000e+00;
	v12 =	vld.idx.msk [tilespmem:v24+s18+$0x0], $0xffff  }
0xda: {  	v10 =	vmin.f32 v14, $1.000000000e+00;
	v25 =	vmul.f32 $7.500000000e+00, v8;
	v26 =	vadd.f32 $1.258291900e+07, v13;
	v13 =	vld.idx.msk [tilespmem:v19+s17+$0x0], $0xffff  }
0xdb: {  	v18 =	vmul.f32 v7, v21;
	v7 =	vmovc v15;
	v19 =	vmul.f32 $7.500000000e+00, v10;
	v20 =	vadd.f32 $1.258291900e+07, v16;
	v14 =	vld.idx.msk [tilespmem:v23+s17+$0x0], $0xffff  }
0xdc: {  	s31 =	sadd.s32 $0x40, s31;
	v17 =	vmul.f32 v6, v17;
	v6 =	vmovc v22;
	v21 =	vadd.f32 $1.258291900e+07, v25;
	v16 =	vand.u32 $0xFFFF, v26;
	v15 =	vld.idx.msk [tilespmem:v24+s17+$0x0], $0xffff  }
0xdd: {  	_ = 	snop  }
0xde: {  	v20 =	vand.u32 $0xFFFF, v20  }
0xdf: {  	v19 =	vadd.f32 $1.258291900e+07, v19  }
0xe0: {  	v21 =	vand.u32 $0xFFFF, v21  }
0xe1: {  	v22 =	vld.idx.msk [tilespmem:v16+s18+$0x0], $0xffff;
	v19 =	vand.u32 $0xFFFF, v19  }
0xe2: {  	v58 =	vld.idx.msk [tilespmem:v16+s17+$0x0], $0xffff  }
0xe3: {  	v23 =	vld.idx.msk [tilespmem:v20+s18+$0x0], $0xffff  }
0xe4: {  	v61 =	vld.idx.msk [tilespmem:v20+s17+$0x0], $0xffff  }
0xe5: {  	v5 =	vmul.f32 v5, v11;
	v59 =	vld.idx.msk [tilespmem:v21+s18+$0x0], $0xffff  }
0xe6: {  	v9 =	vadd.f32 v18, v9;
	v4 =	vmul.f32 v4, v12;
	v24 =	vld.idx.msk [tilespmem:v19+s18+$0x0], $0xffff  }
0xe7: {  	s29 =	sadd.s32 $0x40, s29;
	v5 =	vadd.f32 v5, v13;
	v63 =	vld.idx.msk [tilespmem:v21+s17+$0x0], $0xffff  }
0xe8: {  	[tilespmem:s29+$0x10] =	vst v9;
	v4 =	vadd.f32 v4, v15;
	v7 =	vmul.f32 v7, v22;
	v60 =	vld.idx.msk [tilespmem:v19+s17+$0x0], $0xffff  }
0xe9: {  	v62 =	vadd.f32 v17, v14;
	[tilespmem:s29+$0xFFFFFFE0] =	vst v5;
	v6 =	vmul.f32 v6, v23  }
0xea: {  	[tilespmem:s29+$0x0] =	vst v4;
	v7 =	vadd.f32 v7, v58;
	v4 =	vmul.f32 v8, v59  }
0xeb: {  	p0 =	seq.s32 s25, $0xF;
	[tilespmem:s29+$0xFFFFFFF0] =	vst v62;
	s29 =	sadd.s32 $0x40, s29;
	v5 =	vmul.f32 v10, v24;
	v6 =	vadd.f32 v6, v61  }
.Ltmp7:
0xec: {  	[tilespmem:s29+$0x10] =	vst v7;
	v4 =	vadd.f32 v4, v63;
	(pc) =	sbr.rel @p0 .LBB2_12-.Ltmp7, $4  }
0xed: {  	v5 =	vadd.f32 v5, v60;
	[tilespmem:s29+$0xFFFFFFF0] =	vst v6  }
0xee: {  	s28 =	sadd.s32 s28, s3;
	[tilespmem:s29+$0x0] =	vst v4  }
0xef: {  	s28 =	sadd.s32 $0x800, s28;
	[tilespmem:s29+$0xFFFFFFE0] =	vst v5  }
0xf0: {  	[hbm4b:s28+s4] =	stream.linear.scatter [tilespmem:s22], [sflag:$0x4], $0x4000, $0x38;
	[tilespmem:$0x10200] =	vst v63  }
.Ltmp8:
0xf1: {  	(pc) =	sbr.rel .LBB2_2-.Ltmp8, $4  }
0xf2: {  	s26 =	sadd.s32 s26, s10  }
0xf3: {  	s26 =	sshrl.u32 s26, $0x3  }
0xf4: {  	s25 =	sadd.s32 $0x1, s25;
	s26 =	sadd.s32 s1, s26  }
0xf5: {  	[tilespmem:s13], [sflag:$0x2] =	stream.linear.gather [hbm4b:s26+s4], $0x4000, $0x38;
	[tilespmem:$0x10200] =	vst v63  }
.LBB2_13:
0xf6: {  	_ =	sfence.sel $0x180000  }
0xf7: {  	[bflag:$0x0] =	sbarrier.arrive $0xFFFF  }
0xf8: {  	p0 =	sne.s32 s5, $0x0;
	_ =	strace $0x90000047  }
0xf9: {  	s0 =	sadd.s32 @!p0 $0x100000, s0;
	[bflag:$0x2] =	sbarrier.arrive $0xFFFF  }
0xfa: {  	[sflag:s0] =	ssyncadd.tile.s32 @!p0 $0x1;
	_ =	shalt  }
.Lfunc_end2:
_tile_overlayer_lowered:
.L_overlay_start_2:
0xfb: {  	(tag) =	ssettag $0x2  }
0xfc: {  	s0 =	rddreg [dreg:$0x0];
	s2 =	stileid.u32  }
0xfd: {  	s1 =	rddreg [dreg:$0x1];
	p0 =	sne.s32 s2, $0x0  }
0xfe: {  	s3 =	rddreg [dreg:$0x2];
	[bflag:$0x3] =	sbarrier.arrive $0xFFFF;
	s2 =	simm.s32 @!p0 $0x1C05  }
0xff: {  	[timem:s3], [sflag:s2] =	dma.local @!p0 [hbm:s0], s1  }
0x100: {  	s0 =	simm.s32 @!p0 $0x5  }
0x101: {  	_ =	swait.ge @!p0 [sflag:s0], s1  }
0x102: {  	s1 =	ssub.s32 @!p0 $0x0, s1;
	[sflag:s0] =	ssyncset.done @!p0 $0x0  }
0x103: {  	[sflag:s0] =	ssyncadd.s32 @!p0 s1  }
0x104: {  	[bflag:$0x3] =	sbarrier.arrive $0xFFFF  }
0x105: {  	_ =	shalt  }

</sc_bundles>
